<compile_context>
chip_gen: v7x
topology: tpu7x:2x2x1
jax: 0.10.2.dev20260603
libtpu: 0.0.44.dev20260713+nightly
codegen_flags: <defaults>
</compile_context>

<pallas_src>
import jax
import jax.numpy as jnp
from jax import lax
from jax.experimental import pallas as pl
from jax.experimental.pallas import tpu as pltpu
from jax.experimental.pallas import tpu_sc as plsc

_ROWS = 2
_COLS = 128
_LANES = 16


def _sc_gather_add(x_hbm, y_hbm, o_hbm, xv, yv, sem):
    c = lax.axis_index("c")
    s = lax.axis_index("s")

    @pl.when(jnp.logical_and(c == 0, s == 0))
    def _():
        cpx = pltpu.async_copy(x_hbm.at[pl.ds(0, _ROWS)], xv, sem)
        cpy = pltpu.async_copy(y_hbm.at[pl.ds(0, _ROWS)], yv, sem)
        cpx.wait()
        cpy.wait()
        for i in range(_ROWS):
            for j in range(_COLS // _LANES):
                sl = pl.ds(j * _LANES, _LANES)
                xv[i, sl] = xv[i, sl] + yv[i, sl]
        pltpu.sync_copy(xv, o_hbm)


def kernel(x, y):
    f = pl.kernel(
        _sc_gather_add,
        out_type=jax.ShapeDtypeStruct((_ROWS, _COLS), jnp.float32),
        mesh=plsc.VectorSubcoreMesh(
            core_axis_name="c", subcore_axis_name="s", num_cores=1
        ),
        scratch_types=[
            pltpu.VMEM((_ROWS, _COLS), jnp.float32),
            pltpu.VMEM((_ROWS, _COLS), jnp.float32),
            pltpu.SemaphoreType.DMA,
        ],
    )
    return f(x, y)

# --- scband reference (transcript-rebuilt; emitter-appended) ---
"""Pipeline reference for scband-simple-index-tensor-buffer-65953517797519 (READ-ONLY COPY).

The authoritative reference and input builder live on the scoring server;
editing this copy changes nothing except your own understanding.
"""

import jax, jax.numpy as jnp
import numpy as np

IDX = jnp.array([0, 1], dtype=jnp.int64)

def setup_inputs(seed: int = 0) -> dict:
    key = jax.random.key(seed)
    k1, k2 = jax.random.split(key)
    x = jax.random.normal(k1, (100000, 128), dtype=jnp.float32)
    y = jax.random.normal(k2, (100000, 128), dtype=jnp.float32)
    return {"x": x, "y": y}

def reference(x, y):
    z = x + y
    return jnp.take(z, IDX, axis=0)

if __name__ == "__main__":
    import jax
    _d = setup_inputs()
    print(jax.jit(kernel)(*tuple(_d.values())))

</pallas_src>

<mosaic_0001>
#map = affine_map<(d0, d1) -> (0, 0)>
module attributes {stable_mosaic.version = 14 : i64} {
  func.func @_sc_gather_add(%arg0: i32, %arg1: i32, %arg2: memref<100000x128xf32, #tpu.memory_space<hbm>>, %arg3: memref<100000x128xf32, #tpu.memory_space<hbm>>, %arg4: memref<2x128xf32, #tpu.memory_space<hbm>>, %arg5: memref<2x128xf32, #tpu.memory_space<vmem>>, %arg6: memref<2x128xf32, #tpu.memory_space<vmem>>, %arg7: memref<!tpu.dma_semaphore, #tpu.memory_space<semaphore_mem>>) attributes {dimension_semantics = [#tpu.dimension_semantics<core_parallel>, #tpu.dimension_semantics<subcore_parallel>], iteration_bounds = array<i64: 1, 16>, scalar_prefetch = 0 : i64, scratch_operands = 3 : i64, tpu.core_type = #tpu.core_type<sc_vector_subcore>, window_params = [{transform_indices = #map}, {transform_indices = #map}, {transform_indices = #map}]} {
    %eq3A = arith.constant 0 : i32
    %eq3A_0 = arith.cmpi eq, %arg0, %eq3A : i32
    %eq3A_1 = arith.constant 0 : i32
    %eq3A_2 = arith.cmpi eq, %arg1, %eq3A_1 : i32
    %and3A = arith.andi %eq3A_0, %eq3A_2 : i1
    %convert_element_type3A = arith.extui %and3A : i1 to i32
    %cond3A = arith.constant 0 : i32
    %cond3A_3 = arith.cmpi ne, %convert_element_type3A, %cond3A : i32
    scf.if %cond3A_3 {
      %dma_start3A = arith.constant 0 : i32
      %dma_start3A_4 = arith.constant 0 : i32
      %dma_start3A_5 = tpu.memref_slice %arg2[%dma_start3A, %dma_start3A_4] : memref<100000x128xf32, #tpu.memory_space<hbm>> -> memref<2x128xf32, #tpu.memory_space<hbm>>
      %dma_start3A_6 = arith.constant 0 : i32
      %dma_start3A_7 = arith.constant 0 : i32
      %dma_start3A_8 = tpu.memref_slice %arg2[%dma_start3A_6, %dma_start3A_7] : memref<100000x128xf32, #tpu.memory_space<hbm>> -> memref<2x128xf32, #tpu.memory_space<hbm>>
      tpu.enqueue_dma source(%dma_start3A_8 : memref<2x128xf32, #tpu.memory_space<hbm>>) target(%arg5 : memref<2x128xf32, #tpu.memory_space<vmem>>) target_semaphore(%arg7 : memref<!tpu.dma_semaphore, #tpu.memory_space<semaphore_mem>>)
      %dma_start3A_9 = arith.constant 0 : i32
      %dma_start3A_10 = arith.constant 0 : i32
      %dma_start3A_11 = tpu.memref_slice %arg3[%dma_start3A_9, %dma_start3A_10] : memref<100000x128xf32, #tpu.memory_space<hbm>> -> memref<2x128xf32, #tpu.memory_space<hbm>>
      %dma_start3A_12 = arith.constant 0 : i32
      %dma_start3A_13 = arith.constant 0 : i32
      %dma_start3A_14 = tpu.memref_slice %arg3[%dma_start3A_12, %dma_start3A_13] : memref<100000x128xf32, #tpu.memory_space<hbm>> -> memref<2x128xf32, #tpu.memory_space<hbm>>
      tpu.enqueue_dma source(%dma_start3A_14 : memref<2x128xf32, #tpu.memory_space<hbm>>) target(%arg6 : memref<2x128xf32, #tpu.memory_space<vmem>>) target_semaphore(%arg7 : memref<!tpu.dma_semaphore, #tpu.memory_space<semaphore_mem>>)
      %dma_wait3A = arith.constant 0 : i32
      %dma_wait3A_15 = arith.constant 0 : i32
      %dma_wait3A_16 = tpu.memref_slice %arg2[%dma_wait3A, %dma_wait3A_15] : memref<100000x128xf32, #tpu.memory_space<hbm>> -> memref<2x128xf32, #tpu.memory_space<hbm>>
      %dma_wait3A_17 = arith.constant 0 : i32
      %dma_wait3A_18 = arith.constant 0 : i32
      %dma_wait3A_19 = tpu.memref_slice %arg2[%dma_wait3A_17, %dma_wait3A_18] : memref<100000x128xf32, #tpu.memory_space<hbm>> -> memref<2x128xf32, #tpu.memory_space<hbm>>
      tpu.wait_dma2 semaphore(%arg7 : memref<!tpu.dma_semaphore, #tpu.memory_space<semaphore_mem>>) src(%dma_wait3A_19 : memref<2x128xf32, #tpu.memory_space<hbm>>) dst(%arg5 : memref<2x128xf32, #tpu.memory_space<vmem>>)
      %dma_wait3A_20 = arith.constant 0 : i32
      %dma_wait3A_21 = arith.constant 0 : i32
      %dma_wait3A_22 = tpu.memref_slice %arg3[%dma_wait3A_20, %dma_wait3A_21] : memref<100000x128xf32, #tpu.memory_space<hbm>> -> memref<2x128xf32, #tpu.memory_space<hbm>>
      %dma_wait3A_23 = arith.constant 0 : i32
      %dma_wait3A_24 = arith.constant 0 : i32
      %dma_wait3A_25 = tpu.memref_slice %arg3[%dma_wait3A_23, %dma_wait3A_24] : memref<100000x128xf32, #tpu.memory_space<hbm>> -> memref<2x128xf32, #tpu.memory_space<hbm>>
      tpu.wait_dma2 semaphore(%arg7 : memref<!tpu.dma_semaphore, #tpu.memory_space<semaphore_mem>>) src(%dma_wait3A_25 : memref<2x128xf32, #tpu.memory_space<hbm>>) dst(%arg6 : memref<2x128xf32, #tpu.memory_space<vmem>>)
      %get3A = arith.constant 0 : i32
      %get3A_26 = arith.index_cast %get3A : i32 to index
      %get3A_27 = arith.constant 0 : index
      %get3A_28 = tpu.vector_load %arg5[%get3A_26, %get3A_27] {strides = array<i32>} : memref<2x128xf32, #tpu.memory_space<vmem>>, vector<1x16xf32>,
      %get3A_29 = vector.shape_cast %get3A_28 : vector<1x16xf32> to vector<16xf32>
      %get3A_30 = arith.constant 0 : i32
      %get3A_31 = arith.index_cast %get3A_30 : i32 to index
      %get3A_32 = arith.constant 0 : index
      %get3A_33 = tpu.vector_load %arg6[%get3A_31, %get3A_32] {strides = array<i32>} : memref<2x128xf32, #tpu.memory_space<vmem>>, vector<1x16xf32>,
      %get3A_34 = vector.shape_cast %get3A_33 : vector<1x16xf32> to vector<16xf32>
      %add3A = arith.addf %get3A_29, %get3A_34 : vector<16xf32>
      %swap3A = arith.constant 0 : i32
      %swap3A_35 = arith.index_cast %swap3A : i32 to index
      %swap3A_36 = arith.constant 0 : index
      %swap3A_37 = tpu.vector_load %arg5[%swap3A_35, %swap3A_36] {strides = array<i32>} : memref<2x128xf32, #tpu.memory_space<vmem>>, vector<1x16xf32>,
      %swap3A_38 = vector.shape_cast %swap3A_37 : vector<1x16xf32> to vector<16xf32>
      %swap3A_39 = vector.shape_cast %add3A : vector<16xf32> to vector<1x16xf32>
      tpu.vector_store %arg5[%swap3A_35, %swap3A_36], %swap3A_39 {strides = array<i32>} : memref<2x128xf32, #tpu.memory_space<vmem>>, vector<1x16xf32>,
      %get3A_40 = arith.constant 0 : i32
      %get3A_41 = arith.index_cast %get3A_40 : i32 to index
      %get3A_42 = arith.constant 16 : index
      %get3A_43 = tpu.vector_load %arg5[%get3A_41, %get3A_42] {strides = array<i32>} : memref<2x128xf32, #tpu.memory_space<vmem>>, vector<1x16xf32>,
      %get3A_44 = vector.shape_cast %get3A_43 : vector<1x16xf32> to vector<16xf32>
      %get3A_45 = arith.constant 0 : i32
      %get3A_46 = arith.index_cast %get3A_45 : i32 to index
      %get3A_47 = arith.constant 16 : index
      %get3A_48 = tpu.vector_load %arg6[%get3A_46, %get3A_47] {strides = array<i32>} : memref<2x128xf32, #tpu.memory_space<vmem>>, vector<1x16xf32>,
      %get3A_49 = vector.shape_cast %get3A_48 : vector<1x16xf32> to vector<16xf32>
      %add3A_50 = arith.addf %get3A_44, %get3A_49 : vector<16xf32>
      %swap3A_51 = arith.constant 0 : i32
      %swap3A_52 = arith.index_cast %swap3A_51 : i32 to index
      %swap3A_53 = arith.constant 16 : index
      %swap3A_54 = tpu.vector_load %arg5[%swap3A_52, %swap3A_53] {strides = array<i32>} : memref<2x128xf32, #tpu.memory_space<vmem>>, vector<1x16xf32>,
      %swap3A_55 = vector.shape_cast %swap3A_54 : vector<1x16xf32> to vector<16xf32>
      %swap3A_56 = vector.shape_cast %add3A_50 : vector<16xf32> to vector<1x16xf32>
      tpu.vector_store %arg5[%swap3A_52, %swap3A_53], %swap3A_56 {strides = array<i32>} : memref<2x128xf32, #tpu.memory_space<vmem>>, vector<1x16xf32>,
      %get3A_57 = arith.constant 0 : i32
      %get3A_58 = arith.index_cast %get3A_57 : i32 to index
      %get3A_59 = arith.constant 32 : index
      %get3A_60 = tpu.vector_load %arg5[%get3A_58, %get3A_59] {strides = array<i32>} : memref<2x128xf32, #tpu.memory_space<vmem>>, vector<1x16xf32>,
      %get3A_61 = vector.shape_cast %get3A_60 : vector<1x16xf32> to vector<16xf32>
      %get3A_62 = arith.constant 0 : i32
      %get3A_63 = arith.index_cast %get3A_62 : i32 to index
      %get3A_64 = arith.constant 32 : index
      %get3A_65 = tpu.vector_load %arg6[%get3A_63, %get3A_64] {strides = array<i32>} : memref<2x128xf32, #tpu.memory_space<vmem>>, vector<1x16xf32>,
      %get3A_66 = vector.shape_cast %get3A_65 : vector<1x16xf32> to vector<16xf32>
      %add3A_67 = arith.addf %get3A_61, %get3A_66 : vector<16xf32>
      %swap3A_68 = arith.constant 0 : i32
      %swap3A_69 = arith.index_cast %swap3A_68 : i32 to index
      %swap3A_70 = arith.constant 32 : index
      %swap3A_71 = tpu.vector_load %arg5[%swap3A_69, %swap3A_70] {strides = array<i32>} : memref<2x128xf32, #tpu.memory_space<vmem>>, vector<1x16xf32>,
      %swap3A_72 = vector.shape_cast %swap3A_71 : vector<1x16xf32> to vector<16xf32>
      %swap3A_73 = vector.shape_cast %add3A_67 : vector<16xf32> to vector<1x16xf32>
      tpu.vector_store %arg5[%swap3A_69, %swap3A_70], %swap3A_73 {strides = array<i32>} : memref<2x128xf32, #tpu.memory_space<vmem>>, vector<1x16xf32>,
      %get3A_74 = arith.constant 0 : i32
      %get3A_75 = arith.index_cast %get3A_74 : i32 to index
      %get3A_76 = arith.constant 48 : index
      %get3A_77 = tpu.vector_load %arg5[%get3A_75, %get3A_76] {strides = array<i32>} : memref<2x128xf32, #tpu.memory_space<vmem>>, vector<1x16xf32>,
      %get3A_78 = vector.shape_cast %get3A_77 : vector<1x16xf32> to vector<16xf32>
      %get3A_79 = arith.constant 0 : i32
      %get3A_80 = arith.index_cast %get3A_79 : i32 to index
      %get3A_81 = arith.constant 48 : index
      %get3A_82 = tpu.vector_load %arg6[%get3A_80, %get3A_81] {strides = array<i32>} : memref<2x128xf32, #tpu.memory_space<vmem>>, vector<1x16xf32>,
      %get3A_83 = vector.shape_cast %get3A_82 : vector<1x16xf32> to vector<16xf32>
      %add3A_84 = arith.addf %get3A_78, %get3A_83 : vector<16xf32>
      %swap3A_85 = arith.constant 0 : i32
      %swap3A_86 = arith.index_cast %swap3A_85 : i32 to index
      %swap3A_87 = arith.constant 48 : index
      %swap3A_88 = tpu.vector_load %arg5[%swap3A_86, %swap3A_87] {strides = array<i32>} : memref<2x128xf32, #tpu.memory_space<vmem>>, vector<1x16xf32>,
      %swap3A_89 = vector.shape_cast %swap3A_88 : vector<1x16xf32> to vector<16xf32>
      %swap3A_90 = vector.shape_cast %add3A_84 : vector<16xf32> to vector<1x16xf32>
      tpu.vector_store %arg5[%swap3A_86, %swap3A_87], %swap3A_90 {strides = array<i32>} : memref<2x128xf32, #tpu.memory_space<vmem>>, vector<1x16xf32>,
      %get3A_91 = arith.constant 0 : i32
      %get3A_92 = arith.index_cast %get3A_91 : i32 to index
      %get3A_93 = arith.constant 64 : index
      %get3A_94 = tpu.vector_load %arg5[%get3A_92, %get3A_93] {strides = array<i32>} : memref<2x128xf32, #tpu.memory_space<vmem>>, vector<1x16xf32>,
      %get3A_95 = vector.shape_cast %get3A_94 : vector<1x16xf32> to vector<16xf32>
      %get3A_96 = arith.constant 0 : i32
      %get3A_97 = arith.index_cast %get3A_96 : i32 to index
      %get3A_98 = arith.constant 64 : index
      %get3A_99 = tpu.vector_load %arg6[%get3A_97, %get3A_98] {strides = array<i32>} : memref<2x128xf32, #tpu.memory_space<vmem>>, vector<1x16xf32>,
      %get3A_100 = vector.shape_cast %get3A_99 : vector<1x16xf32> to vector<16xf32>
      %add3A_101 = arith.addf %get3A_95, %get3A_100 : vector<16xf32>
      %swap3A_102 = arith.constant 0 : i32
      %swap3A_103 = arith.index_cast %swap3A_102 : i32 to index
      %swap3A_104 = arith.constant 64 : index
      %swap3A_105 = tpu.vector_load %arg5[%swap3A_103, %swap3A_104] {strides = array<i32>} : memref<2x128xf32, #tpu.memory_space<vmem>>, vector<1x16xf32>,
      %swap3A_106 = vector.shape_cast %swap3A_105 : vector<1x16xf32> to vector<16xf32>
      %swap3A_107 = vector.shape_cast %add3A_101 : vector<16xf32> to vector<1x16xf32>
      tpu.vector_store %arg5[%swap3A_103, %swap3A_104], %swap3A_107 {strides = array<i32>} : memref<2x128xf32, #tpu.memory_space<vmem>>, vector<1x16xf32>,
      %get3A_108 = arith.constant 0 : i32
      %get3A_109 = arith.index_cast %get3A_108 : i32 to index
      %get3A_110 = arith.constant 80 : index
      %get3A_111 = tpu.vector_load %arg5[%get3A_109, %get3A_110] {strides = array<i32>} : memref<2x128xf32, #tpu.memory_space<vmem>>, vector<1x16xf32>,
      %get3A_112 = vector.shape_cast %get3A_111 : vector<1x16xf32> to vector<16xf32>
      %get3A_113 = arith.constant 0 : i32
      %get3A_114 = arith.index_cast %get3A_113 : i32 to index
      %get3A_115 = arith.constant 80 : index
      %get3A_116 = tpu.vector_load %arg6[%get3A_114, %get3A_115] {strides = array<i32>} : memref<2x128xf32, #tpu.memory_space<vmem>>, vector<1x16xf32>,
      %get3A_117 = vector.shape_cast %get3A_116 : vector<1x16xf32> to vector<16xf32>
      %add3A_118 = arith.addf %get3A_112, %get3A_117 : vector<16xf32>
      %swap3A_119 = arith.constant 0 : i32
      %swap3A_120 = arith.index_cast %swap3A_119 : i32 to index
      %swap3A_121 = arith.constant 80 : index
      %swap3A_122 = tpu.vector_load %arg5[%swap3A_120, %swap3A_121] {strides = array<i32>} : memref<2x128xf32, #tpu.memory_space<vmem>>, vector<1x16xf32>,
      %swap3A_123 = vector.shape_cast %swap3A_122 : vector<1x16xf32> to vector<16xf32>
      %swap3A_124 = vector.shape_cast %add3A_118 : vector<16xf32> to vector<1x16xf32>
      tpu.vector_store %arg5[%swap3A_120, %swap3A_121], %swap3A_124 {strides = array<i32>} : memref<2x128xf32, #tpu.memory_space<vmem>>, vector<1x16xf32>,
      %get3A_125 = arith.constant 0 : i32
      %get3A_126 = arith.index_cast %get3A_125 : i32 to index
      %get3A_127 = arith.constant 96 : index
      %get3A_128 = tpu.vector_load %arg5[%get3A_126, %get3A_127] {strides = array<i32>} : memref<2x128xf32, #tpu.memory_space<vmem>>, vector<1x16xf32>,
      %get3A_129 = vector.shape_cast %get3A_128 : vector<1x16xf32> to vector<16xf32>
      %get3A_130 = arith.constant 0 : i32
      %get3A_131 = arith.index_cast %get3A_130 : i32 to index
      %get3A_132 = arith.constant 96 : index
      %get3A_133 = tpu.vector_load %arg6[%get3A_131, %get3A_132] {strides = array<i32>} : memref<2x128xf32, #tpu.memory_space<vmem>>, vector<1x16xf32>,
      %get3A_134 = vector.shape_cast %get3A_133 : vector<1x16xf32> to vector<16xf32>
      %add3A_135 = arith.addf %get3A_129, %get3A_134 : vector<16xf32>
      %swap3A_136 = arith.constant 0 : i32
      %swap3A_137 = arith.index_cast %swap3A_136 : i32 to index
      %swap3A_138 = arith.constant 96 : index
      %swap3A_139 = tpu.vector_load %arg5[%swap3A_137, %swap3A_138] {strides = array<i32>} : memref<2x128xf32, #tpu.memory_space<vmem>>, vector<1x16xf32>,
      %swap3A_140 = vector.shape_cast %swap3A_139 : vector<1x16xf32> to vector<16xf32>
      %swap3A_141 = vector.shape_cast %add3A_135 : vector<16xf32> to vector<1x16xf32>
      tpu.vector_store %arg5[%swap3A_137, %swap3A_138], %swap3A_141 {strides = array<i32>} : memref<2x128xf32, #tpu.memory_space<vmem>>, vector<1x16xf32>,
      %get3A_142 = arith.constant 0 : i32
      %get3A_143 = arith.index_cast %get3A_142 : i32 to index
      %get3A_144 = arith.constant 112 : index
      %get3A_145 = tpu.vector_load %arg5[%get3A_143, %get3A_144] {strides = array<i32>} : memref<2x128xf32, #tpu.memory_space<vmem>>, vector<1x16xf32>,
      %get3A_146 = vector.shape_cast %get3A_145 : vector<1x16xf32> to vector<16xf32>
      %get3A_147 = arith.constant 0 : i32
      %get3A_148 = arith.index_cast %get3A_147 : i32 to index
      %get3A_149 = arith.constant 112 : index
      %get3A_150 = tpu.vector_load %arg6[%get3A_148, %get3A_149] {strides = array<i32>} : memref<2x128xf32, #tpu.memory_space<vmem>>, vector<1x16xf32>,
      %get3A_151 = vector.shape_cast %get3A_150 : vector<1x16xf32> to vector<16xf32>
      %add3A_152 = arith.addf %get3A_146, %get3A_151 : vector<16xf32>
      %swap3A_153 = arith.constant 0 : i32
      %swap3A_154 = arith.index_cast %swap3A_153 : i32 to index
      %swap3A_155 = arith.constant 112 : index
      %swap3A_156 = tpu.vector_load %arg5[%swap3A_154, %swap3A_155] {strides = array<i32>} : memref<2x128xf32, #tpu.memory_space<vmem>>, vector<1x16xf32>,
      %swap3A_157 = vector.shape_cast %swap3A_156 : vector<1x16xf32> to vector<16xf32>
      %swap3A_158 = vector.shape_cast %add3A_152 : vector<16xf32> to vector<1x16xf32>
      tpu.vector_store %arg5[%swap3A_154, %swap3A_155], %swap3A_158 {strides = array<i32>} : memref<2x128xf32, #tpu.memory_space<vmem>>, vector<1x16xf32>,
      %get3A_159 = arith.constant 1 : i32
      %get3A_160 = arith.index_cast %get3A_159 : i32 to index
      %get3A_161 = arith.constant 0 : index
      %get3A_162 = tpu.vector_load %arg5[%get3A_160, %get3A_161] {strides = array<i32>} : memref<2x128xf32, #tpu.memory_space<vmem>>, vector<1x16xf32>,
      %get3A_163 = vector.shape_cast %get3A_162 : vector<1x16xf32> to vector<16xf32>
      %get3A_164 = arith.constant 1 : i32
      %get3A_165 = arith.index_cast %get3A_164 : i32 to index
      %get3A_166 = arith.constant 0 : index
      %get3A_167 = tpu.vector_load %arg6[%get3A_165, %get3A_166] {strides = array<i32>} : memref<2x128xf32, #tpu.memory_space<vmem>>, vector<1x16xf32>,
      %get3A_168 = vector.shape_cast %get3A_167 : vector<1x16xf32> to vector<16xf32>
      %add3A_169 = arith.addf %get3A_163, %get3A_168 : vector<16xf32>
      %swap3A_170 = arith.constant 1 : i32
      %swap3A_171 = arith.index_cast %swap3A_170 : i32 to index
      %swap3A_172 = arith.constant 0 : index
      %swap3A_173 = tpu.vector_load %arg5[%swap3A_171, %swap3A_172] {strides = array<i32>} : memref<2x128xf32, #tpu.memory_space<vmem>>, vector<1x16xf32>,
      %swap3A_174 = vector.shape_cast %swap3A_173 : vector<1x16xf32> to vector<16xf32>
      %swap3A_175 = vector.shape_cast %add3A_169 : vector<16xf32> to vector<1x16xf32>
      tpu.vector_store %arg5[%swap3A_171, %swap3A_172], %swap3A_175 {strides = array<i32>} : memref<2x128xf32, #tpu.memory_space<vmem>>, vector<1x16xf32>,
      %get3A_176 = arith.constant 1 : i32
      %get3A_177 = arith.index_cast %get3A_176 : i32 to index
      %get3A_178 = arith.constant 16 : index
      %get3A_179 = tpu.vector_load %arg5[%get3A_177, %get3A_178] {strides = array<i32>} : memref<2x128xf32, #tpu.memory_space<vmem>>, vector<1x16xf32>,
      %get3A_180 = vector.shape_cast %get3A_179 : vector<1x16xf32> to vector<16xf32>
      %get3A_181 = arith.constant 1 : i32
      %get3A_182 = arith.index_cast %get3A_181 : i32 to index
      %get3A_183 = arith.constant 16 : index
      %get3A_184 = tpu.vector_load %arg6[%get3A_182, %get3A_183] {strides = array<i32>} : memref<2x128xf32, #tpu.memory_space<vmem>>, vector<1x16xf32>,
      %get3A_185 = vector.shape_cast %get3A_184 : vector<1x16xf32> to vector<16xf32>
      %add3A_186 = arith.addf %get3A_180, %get3A_185 : vector<16xf32>
      %swap3A_187 = arith.constant 1 : i32
      %swap3A_188 = arith.index_cast %swap3A_187 : i32 to index
      %swap3A_189 = arith.constant 16 : index
      %swap3A_190 = tpu.vector_load %arg5[%swap3A_188, %swap3A_189] {strides = array<i32>} : memref<2x128xf32, #tpu.memory_space<vmem>>, vector<1x16xf32>,
      %swap3A_191 = vector.shape_cast %swap3A_190 : vector<1x16xf32> to vector<16xf32>
      %swap3A_192 = vector.shape_cast %add3A_186 : vector<16xf32> to vector<1x16xf32>
      tpu.vector_store %arg5[%swap3A_188, %swap3A_189], %swap3A_192 {strides = array<i32>} : memref<2x128xf32, #tpu.memory_space<vmem>>, vector<1x16xf32>,
      %get3A_193 = arith.constant 1 : i32
      %get3A_194 = arith.index_cast %get3A_193 : i32 to index
      %get3A_195 = arith.constant 32 : index
      %get3A_196 = tpu.vector_load %arg5[%get3A_194, %get3A_195] {strides = array<i32>} : memref<2x128xf32, #tpu.memory_space<vmem>>, vector<1x16xf32>,
      %get3A_197 = vector.shape_cast %get3A_196 : vector<1x16xf32> to vector<16xf32>
      %get3A_198 = arith.constant 1 : i32
      %get3A_199 = arith.index_cast %get3A_198 : i32 to index
      %get3A_200 = arith.constant 32 : index
      %get3A_201 = tpu.vector_load %arg6[%get3A_199, %get3A_200] {strides = array<i32>} : memref<2x128xf32, #tpu.memory_space<vmem>>, vector<1x16xf32>,
      %get3A_202 = vector.shape_cast %get3A_201 : vector<1x16xf32> to vector<16xf32>
      %add3A_203 = arith.addf %get3A_197, %get3A_202 : vector<16xf32>
      %swap3A_204 = arith.constant 1 : i32
      %swap3A_205 = arith.index_cast %swap3A_204 : i32 to index
      %swap3A_206 = arith.constant 32 : index
      %swap3A_207 = tpu.vector_load %arg5[%swap3A_205, %swap3A_206] {strides = array<i32>} : memref<2x128xf32, #tpu.memory_space<vmem>>, vector<1x16xf32>,
      %swap3A_208 = vector.shape_cast %swap3A_207 : vector<1x16xf32> to vector<16xf32>
      %swap3A_209 = vector.shape_cast %add3A_203 : vector<16xf32> to vector<1x16xf32>
      tpu.vector_store %arg5[%swap3A_205, %swap3A_206], %swap3A_209 {strides = array<i32>} : memref<2x128xf32, #tpu.memory_space<vmem>>, vector<1x16xf32>,
      %get3A_210 = arith.constant 1 : i32
      %get3A_211 = arith.index_cast %get3A_210 : i32 to index
      %get3A_212 = arith.constant 48 : index
      %get3A_213 = tpu.vector_load %arg5[%get3A_211, %get3A_212] {strides = array<i32>} : memref<2x128xf32, #tpu.memory_space<vmem>>, vector<1x16xf32>,
      %get3A_214 = vector.shape_cast %get3A_213 : vector<1x16xf32> to vector<16xf32>
      %get3A_215 = arith.constant 1 : i32
      %get3A_216 = arith.index_cast %get3A_215 : i32 to index
      %get3A_217 = arith.constant 48 : index
      %get3A_218 = tpu.vector_load %arg6[%get3A_216, %get3A_217] {strides = array<i32>} : memref<2x128xf32, #tpu.memory_space<vmem>>, vector<1x16xf32>,
      %get3A_219 = vector.shape_cast %get3A_218 : vector<1x16xf32> to vector<16xf32>
      %add3A_220 = arith.addf %get3A_214, %get3A_219 : vector<16xf32>
      %swap3A_221 = arith.constant 1 : i32
      %swap3A_222 = arith.index_cast %swap3A_221 : i32 to index
      %swap3A_223 = arith.constant 48 : index
      %swap3A_224 = tpu.vector_load %arg5[%swap3A_222, %swap3A_223] {strides = array<i32>} : memref<2x128xf32, #tpu.memory_space<vmem>>, vector<1x16xf32>,
      %swap3A_225 = vector.shape_cast %swap3A_224 : vector<1x16xf32> to vector<16xf32>
      %swap3A_226 = vector.shape_cast %add3A_220 : vector<16xf32> to vector<1x16xf32>
      tpu.vector_store %arg5[%swap3A_222, %swap3A_223], %swap3A_226 {strides = array<i32>} : memref<2x128xf32, #tpu.memory_space<vmem>>, vector<1x16xf32>,
      %get3A_227 = arith.constant 1 : i32
      %get3A_228 = arith.index_cast %get3A_227 : i32 to index
      %get3A_229 = arith.constant 64 : index
      %get3A_230 = tpu.vector_load %arg5[%get3A_228, %get3A_229] {strides = array<i32>} : memref<2x128xf32, #tpu.memory_space<vmem>>, vector<1x16xf32>,
      %get3A_231 = vector.shape_cast %get3A_230 : vector<1x16xf32> to vector<16xf32>
      %get3A_232 = arith.constant 1 : i32
      %get3A_233 = arith.index_cast %get3A_232 : i32 to index
      %get3A_234 = arith.constant 64 : index
      %get3A_235 = tpu.vector_load %arg6[%get3A_233, %get3A_234] {strides = array<i32>} : memref<2x128xf32, #tpu.memory_space<vmem>>, vector<1x16xf32>,
      %get3A_236 = vector.shape_cast %get3A_235 : vector<1x16xf32> to vector<16xf32>
      %add3A_237 = arith.addf %get3A_231, %get3A_236 : vector<16xf32>
      %swap3A_238 = arith.constant 1 : i32
      %swap3A_239 = arith.index_cast %swap3A_238 : i32 to index
      %swap3A_240 = arith.constant 64 : index
      %swap3A_241 = tpu.vector_load %arg5[%swap3A_239, %swap3A_240] {strides = array<i32>} : memref<2x128xf32, #tpu.memory_space<vmem>>, vector<1x16xf32>,
      %swap3A_242 = vector.shape_cast %swap3A_241 : vector<1x16xf32> to vector<16xf32>
      %swap3A_243 = vector.shape_cast %add3A_237 : vector<16xf32> to vector<1x16xf32>
      tpu.vector_store %arg5[%swap3A_239, %swap3A_240], %swap3A_243 {strides = array<i32>} : memref<2x128xf32, #tpu.memory_space<vmem>>, vector<1x16xf32>,
      %get3A_244 = arith.constant 1 : i32
      %get3A_245 = arith.index_cast %get3A_244 : i32 to index
      %get3A_246 = arith.constant 80 : index
      %get3A_247 = tpu.vector_load %arg5[%get3A_245, %get3A_246] {strides = array<i32>} : memref<2x128xf32, #tpu.memory_space<vmem>>, vector<1x16xf32>,
      %get3A_248 = vector.shape_cast %get3A_247 : vector<1x16xf32> to vector<16xf32>
      %get3A_249 = arith.constant 1 : i32
      %get3A_250 = arith.index_cast %get3A_249 : i32 to index
      %get3A_251 = arith.constant 80 : index
      %get3A_252 = tpu.vector_load %arg6[%get3A_250, %get3A_251] {strides = array<i32>} : memref<2x128xf32, #tpu.memory_space<vmem>>, vector<1x16xf32>,
      %get3A_253 = vector.shape_cast %get3A_252 : vector<1x16xf32> to vector<16xf32>
      %add3A_254 = arith.addf %get3A_248, %get3A_253 : vector<16xf32>
      %swap3A_255 = arith.constant 1 : i32
      %swap3A_256 = arith.index_cast %swap3A_255 : i32 to index
      %swap3A_257 = arith.constant 80 : index
      %swap3A_258 = tpu.vector_load %arg5[%swap3A_256, %swap3A_257] {strides = array<i32>} : memref<2x128xf32, #tpu.memory_space<vmem>>, vector<1x16xf32>,
      %swap3A_259 = vector.shape_cast %swap3A_258 : vector<1x16xf32> to vector<16xf32>
      %swap3A_260 = vector.shape_cast %add3A_254 : vector<16xf32> to vector<1x16xf32>
      tpu.vector_store %arg5[%swap3A_256, %swap3A_257], %swap3A_260 {strides = array<i32>} : memref<2x128xf32, #tpu.memory_space<vmem>>, vector<1x16xf32>,
      %get3A_261 = arith.constant 1 : i32
      %get3A_262 = arith.index_cast %get3A_261 : i32 to index
      %get3A_263 = arith.constant 96 : index
      %get3A_264 = tpu.vector_load %arg5[%get3A_262, %get3A_263] {strides = array<i32>} : memref<2x128xf32, #tpu.memory_space<vmem>>, vector<1x16xf32>,
      %get3A_265 = vector.shape_cast %get3A_264 : vector<1x16xf32> to vector<16xf32>
      %get3A_266 = arith.constant 1 : i32
      %get3A_267 = arith.index_cast %get3A_266 : i32 to index
      %get3A_268 = arith.constant 96 : index
      %get3A_269 = tpu.vector_load %arg6[%get3A_267, %get3A_268] {strides = array<i32>} : memref<2x128xf32, #tpu.memory_space<vmem>>, vector<1x16xf32>,
      %get3A_270 = vector.shape_cast %get3A_269 : vector<1x16xf32> to vector<16xf32>
      %add3A_271 = arith.addf %get3A_265, %get3A_270 : vector<16xf32>
      %swap3A_272 = arith.constant 1 : i32
      %swap3A_273 = arith.index_cast %swap3A_272 : i32 to index
      %swap3A_274 = arith.constant 96 : index
      %swap3A_275 = tpu.vector_load %arg5[%swap3A_273, %swap3A_274] {strides = array<i32>} : memref<2x128xf32, #tpu.memory_space<vmem>>, vector<1x16xf32>,
      %swap3A_276 = vector.shape_cast %swap3A_275 : vector<1x16xf32> to vector<16xf32>
      %swap3A_277 = vector.shape_cast %add3A_271 : vector<16xf32> to vector<1x16xf32>
      tpu.vector_store %arg5[%swap3A_273, %swap3A_274], %swap3A_277 {strides = array<i32>} : memref<2x128xf32, #tpu.memory_space<vmem>>, vector<1x16xf32>,
      %get3A_278 = arith.constant 1 : i32
      %get3A_279 = arith.index_cast %get3A_278 : i32 to index
      %get3A_280 = arith.constant 112 : index
      %get3A_281 = tpu.vector_load %arg5[%get3A_279, %get3A_280] {strides = array<i32>} : memref<2x128xf32, #tpu.memory_space<vmem>>, vector<1x16xf32>,
      %get3A_282 = vector.shape_cast %get3A_281 : vector<1x16xf32> to vector<16xf32>
      %get3A_283 = arith.constant 1 : i32
      %get3A_284 = arith.index_cast %get3A_283 : i32 to index
      %get3A_285 = arith.constant 112 : index
      %get3A_286 = tpu.vector_load %arg6[%get3A_284, %get3A_285] {strides = array<i32>} : memref<2x128xf32, #tpu.memory_space<vmem>>, vector<1x16xf32>,
      %get3A_287 = vector.shape_cast %get3A_286 : vector<1x16xf32> to vector<16xf32>
      %add3A_288 = arith.addf %get3A_282, %get3A_287 : vector<16xf32>
      %swap3A_289 = arith.constant 1 : i32
      %swap3A_290 = arith.index_cast %swap3A_289 : i32 to index
      %swap3A_291 = arith.constant 112 : index
      %swap3A_292 = tpu.vector_load %arg5[%swap3A_290, %swap3A_291] {strides = array<i32>} : memref<2x128xf32, #tpu.memory_space<vmem>>, vector<1x16xf32>,
      %swap3A_293 = vector.shape_cast %swap3A_292 : vector<1x16xf32> to vector<16xf32>
      %swap3A_294 = vector.shape_cast %add3A_288 : vector<16xf32> to vector<1x16xf32>
      tpu.vector_store %arg5[%swap3A_290, %swap3A_291], %swap3A_294 {strides = array<i32>} : memref<2x128xf32, #tpu.memory_space<vmem>>, vector<1x16xf32>,
      "tpu.region"() ({
        %run_scoped3A = tpu.sem_alloc : memref<!tpu.dma_semaphore, #tpu.memory_space<semaphore_mem>>
        tpu.enqueue_dma source(%arg5 : memref<2x128xf32, #tpu.memory_space<vmem>>) target(%arg4 : memref<2x128xf32, #tpu.memory_space<hbm>>) target_semaphore(%run_scoped3A : memref<!tpu.dma_semaphore, #tpu.memory_space<semaphore_mem>>)
        tpu.wait_dma2 semaphore(%run_scoped3A : memref<!tpu.dma_semaphore, #tpu.memory_space<semaphore_mem>>) src(%arg5 : memref<2x128xf32, #tpu.memory_space<vmem>>) dst(%arg4 : memref<2x128xf32, #tpu.memory_space<hbm>>)
        tpu.yield
      }) : () -> ()
    } else {
    }
    return
  }
}

</mosaic_0001>

<sc_bundles>
// kernel: kernel.3.cloned.1.call-start
scs
__scs_entry_jumppad:
0x0: {  	(pc) =	sbr.rel $0x88, $3  }
0x1: {  	(tag) =	ssettag $0x0;
	lr =	simm.s32 $0x1  }
0x2: {  	[smem:$0x3F9F] =	sst lr;
	_ =	strace $0xD0000000  }
0x3: {  	_ = 	snop  }
0x4: {  	_ = 	snop  }
0x5: {  	_ = 	snop  }
0x6: {  	_ = 	snop  }
0x7: {  	_ = 	snop  }
__scs_overlays_trampoline_lowered:
0x8: {  	[smem:$0x3FAE] =	sst s0  }
0x9: {  	[smem:$0x3FAF] =	sst s1  }
0xa: {  	[smem:$0x3FB0] =	sst s2  }
0xb: {  	[smem:$0x3FB1] =	sst s3  }
0xc: {  	[smem:$0x3FB2] =	sst s4  }
0xd: {  	[smem:$0x3FB3] =	sst s5  }
0xe: {  	[smem:$0x3FB4] =	sst s6  }
0xf: {  	[smem:$0x3FB5] =	sst s7  }
0x10: {  	[smem:$0x3FB6] =	sst s8  }
0x11: {  	[smem:$0x3FB7] =	sst s9;
	s0 =	simm.s32 @!p0 $0x0  }
0x12: {  	s1 =	sld [smem:$0x3F9D];
	s0 =	simm.s32 @p0 $0x1  }
0x13: {  	[smem:$0x3FB8] =	sst s0;
	s0 =	simm.s32 @!p1 $0x0  }
0x14: {  	s2 =	sld [smem:$0x3F9C];
	s0 =	simm.s32 @p1 $0x1  }
0x15: {  	[smem:$0x3FB9] =	sst s0;
	s0 =	simm.s32 @!p2 $0x0  }
0x16: {  	s3 =	sld [smem:$0x3FDB];
	s0 =	simm.s32 @p2 $0x1  }
0x17: {  	s4 =	simm.s32 $0x1BF5;
	[smem:$0x3FBB] =	sst s0  }
0x18: {  	s0 =	sld [smem:$0x3F9E];
	_ =	swait.ge [sflag:s4], $0x0  }
0x19: {  	s7 =	sld [smem:$0x3F9F]  }
0x1a: {  	s8 =	sadd.s32 $0xFFFFE003, lr  }
0x1b: {  	s9 =	sadd.s32 $0xFFFFFEF7, lr;
	s5 =	simm.s32 $0xFFFFFFFF;
	p2 =	slt.u32 s8, $0xFFFFF086  }
0x1c: {  	p1 =	slt.u32 s9, $0xF7A;
	s5 =	simm.s32 @!p2 $0x0  }
0x1d: {  	s5 =	simm.s32 @p1 $0x1;
	p0 =	seq.s32 s7, s2  }
0x1e: {  	s7 =	smul.u32 @!p0 $0xF7A, s2;
	p2 =	seq.s32 @!p0 s5, $0x0  }
0x1f: {  	s9 =	smul.u32 $0xF7A, s1;
	s8 =	simm.s32 @!p0 $0x1BF5;
	p2 =	por !p2, p0  }
0x20: {  	[sflag:s8] =	ssyncset.s32 @!p0 $0xFFFFF086;
	s6 =	sadd.s32 @!p0 s3, s7;
	s7 =	simm.s32 @!p0 $0x108  }
0x21: {  	s3 =	sadd.s32 s3, s9;
	s6 =	sadd.s32 @!p0 $0x88, s6;
	s7 =	simm.s32 @p2 $0x1082  }
0x22: {  	[simem:s7], [sflag:s8] =	dma.local @!p0 [hbm:s6], $0xF7A  }
0x23: {  	s9 =	sor.u32 $0xD0000000, s2;
	s6 =	simm.s32 $0x108;
	_ =	swait.ge @!p0 [sflag:s8], $0x0  }
0x24: {  	s3 =	sadd.s32 $0x88, s3;
	s6 =	simm.s32 @!p1 $0x1082;
	[sflag:s4] =	ssyncset.s32 $0xFFFFF086  }
0x25: {  	[simem:s6], [sflag:s4] =	dma.local [hbm:s3], $0xF7A  }
0x26: {  	[smem:$0x3F9F] =	sst s1;
	(tag) =	ssettag s2;
	_ =	strace s9  }
0x27: {  	s1 =	sld [smem:$0x3FAF]  }
0x28: {  	s2 =	sld [smem:$0x3FB0]  }
0x29: {  	s4 =	sld [smem:$0x3FB2]  }
0x2a: {  	p0 =	seq.s32 s5, $0x0;
	s5 =	sld [smem:$0x3FB3]  }
0x2b: {  	s6 =	sld [smem:$0x3FB4]  }
0x2c: {  	s7 =	sld [smem:$0x3FB5]  }
0x2d: {  	s3 =	simm.s32 $0x108;
	s8 =	sld [smem:$0x3FB6]  }
0x2e: {  	s3 =	simm.s32 @!p0 $0x1082;
	s9 =	sld [smem:$0x3FB7]  }
0x2f: {  	lr =	sadd.s32 s0, s3;
	s0 =	sld [smem:$0x3FAE]  }
0x30: {  	s3 =	sld [smem:$0x3FB1]  }
0x31: {  	[smem:$0x3FBA] =	sst s10  }
0x32: {  	s10 =	sld [smem:$0x3FB8];
	_ =	sdelay $0x3  }
0x33: {  	p0 =	seq.s32 s10, $0x1;
	s10 =	sld [smem:$0x3FBA];
	_ =	sdelay $0x3  }
0x34: {  	[smem:$0x3FBA] =	sst s10  }
0x35: {  	s10 =	sld [smem:$0x3FB9];
	_ =	sdelay $0x3  }
0x36: {  	p1 =	seq.s32 s10, $0x1;
	s10 =	sld [smem:$0x3FBA];
	_ =	sdelay $0x3  }
0x37: {  	[smem:$0x3FBA] =	sst s10  }
0x38: {  	s10 =	sld [smem:$0x3FBB]  }
0x39: {  	_ = 	snop;
	(pc) =	sbr.ind lr, $3  }
0x3a: {  	_ = 	snop  }
0x3b: {  	_ = 	snop  }
0x3c: {  	p2 =	seq.s32 s10, $0x1;
	s10 =	sld [smem:$0x3FBA]  }
0x3d: {  	_ =	shalt  }
0x3e: {  	_ =	shalt  }
0x3f: {  	_ =	shalt  }
0x40: {  	_ =	shalt  }
0x41: {  	_ =	shalt  }
0x42: {  	_ =	shalt  }
0x43: {  	_ =	shalt  }
0x44: {  	_ =	shalt  }
0x45: {  	_ =	shalt  }
0x46: {  	_ =	shalt  }
0x47: {  	_ =	shalt  }
0x48: {  	_ =	shalt  }
0x49: {  	_ =	shalt  }
0x4a: {  	_ =	shalt  }
0x4b: {  	_ =	shalt  }
0x4c: {  	_ =	shalt  }
0x4d: {  	_ =	shalt  }
0x4e: {  	_ =	shalt  }
0x4f: {  	_ =	shalt  }
0x50: {  	_ =	shalt  }
0x51: {  	_ =	shalt  }
0x52: {  	_ =	shalt  }
0x53: {  	_ =	shalt  }
0x54: {  	_ =	shalt  }
0x55: {  	_ =	shalt  }
0x56: {  	_ =	shalt  }
0x57: {  	_ =	shalt  }
0x58: {  	_ =	shalt  }
0x59: {  	_ =	shalt  }
0x5a: {  	_ =	shalt  }
0x5b: {  	_ =	shalt  }
0x5c: {  	_ =	shalt  }
0x5d: {  	_ =	shalt  }
0x5e: {  	_ =	shalt  }
0x5f: {  	_ =	shalt  }
0x60: {  	_ =	shalt  }
0x61: {  	_ =	shalt  }
0x62: {  	_ =	shalt  }
0x63: {  	_ =	shalt  }
0x64: {  	_ =	shalt  }
0x65: {  	_ =	shalt  }
0x66: {  	_ =	shalt  }
0x67: {  	_ =	shalt  }
0x68: {  	_ =	shalt  }
0x69: {  	_ =	shalt  }
0x6a: {  	_ =	shalt  }
0x6b: {  	_ =	shalt  }
0x6c: {  	_ =	shalt  }
0x6d: {  	_ =	shalt  }
0x6e: {  	_ =	shalt  }
0x6f: {  	_ =	shalt  }
0x70: {  	_ =	shalt  }
0x71: {  	_ =	shalt  }
0x72: {  	_ =	shalt  }
0x73: {  	_ =	shalt  }
0x74: {  	_ =	shalt  }
0x75: {  	_ =	shalt  }
0x76: {  	_ =	shalt  }
0x77: {  	_ =	shalt  }
0x78: {  	_ =	shalt  }
0x79: {  	_ =	shalt  }
0x7a: {  	_ =	shalt  }
0x7b: {  	_ =	shalt  }
0x7c: {  	_ =	shalt  }
0x7d: {  	_ =	shalt  }
0x7e: {  	_ =	shalt  }
0x7f: {  	_ =	shalt  }
0x80: {  	_ =	shalt  }
0x81: {  	_ =	shalt  }
0x82: {  	_ =	shalt  }
0x83: {  	_ =	shalt  }
0x84: {  	_ =	shalt  }
0x85: {  	_ =	shalt  }
0x86: {  	_ =	shalt  }
0x87: {  	_ =	shalt  }
.Lfunc_end0:
.L_simem_size_0:
called_computation_lowered:
.L_overlay_start_0:
0x88: {  	s0 =	sld [smem:$0x3FD9]  }
0x89: {  	s1 =	sld [smem:$0x3FFE];
	_ =	sdelay $0x3  }
0x8a: {  	s0 =	sadd.s32 s1, s0  }
0x8b: {  	[smem:$0x3FC6] =	sst s0  }
0x8c: {  	_ = 	snop  }
0x8d: {  	s0 =	sld [smem:$0x3FC9]  }
0x8e: {  	s17 =	sld [smem:$0x3FC8]  }
0x8f: {  	s2 =	sld [smem:$0x3FD0];
	(tm) =	ssettm $0x1  }
0x90: {  	s3 =	sld [smem:$0x3FFB];
	_ =	sdelay $0x3  }
0x91: {  	_ =	strace s3  }
0x92: {  	s3 =	sld [smem:$0x3FFC];
	_ =	sdelay $0x3  }
0x93: {  	_ =	strace s3  }
0x94: {  	s3 =	sld [smem:$0x3FFD];
	_ =	sdelay $0x3  }
0x95: {  	_ =	strace s3  }
0x96: {  	_ =	strace $0x8FFFFFFF  }
0x97: {  	s18 =	sld [smem:$0x3FDB];
	_ =	sdelay $0x1  }
0x98: {  	s4 =	simm.s32 $_scs_section_size  }
0x99: {  	s5 =	simm.s32 $_size__tile_overlayer_lowered;
	s6 =	simm.s32 $_tile_overlayer_lowered  }
0x9a: {  	s21 =	simm.s32 $0x1BFF;
	s20 =	sshll.u32 s6, $0x1;
	s3 =	sadd.s32 s4, s18  }
0x9b: {  	s7 =	simm.s32 $0x0;
	s19 =	sshll.u32 s5, $0x1;
	s5 =	sadd.s32 s20, s3  }
0x9c: {  	[timem:s7], [sflag:s21] =	dma.local [hbm:s5], s19  }
0x9d: {  	_ =	swait.ge [sflag:s21], s19  }
0x9e: {  	s4 =	ssub.s32 $0x0, s19;
	[sflag:s21] =	ssyncset.done $0x0  }
0x9f: {  	[sflag:s21] =	ssyncadd.s32 s4;
	_ =	sdelay $0x1  }
0xa0: {  	s22 =	simm.s32 $0x1B8B  }
0xa1: {  	_ =	swait.ge [sflag:s22], $0x1  }
0xa2: {  	[sflag:s22] =	ssyncset.done $0x0  }
0xa3: {  	s23 =	simm.s32 $0x1B8E;
	[sflag:s22] =	ssyncadd.s32 $0xFFFFFFFF  }
0xa4: {  	s24 =	simm.s32 $execute0_lowered;
	[smem:$0x3FD2] =	sst s23  }
0xa5: {  	s4 =	sshll.u32 s24, $0x1;
	_ =	strace $0x80000046;
	[dreg:$0x1] =	wrdreg $0xFFFFFFFF  }
0xa6: {  	s25 =	simm.s32 $_size_execute0_lowered;
	s3 =	sadd.s32 s3, s4;
	[dreg:$0x0] =	wrdreg $0x0  }
0xa7: {  	s4 =	sshll.u32 s25, $0x1;
	[dreg:$0x2] =	wrdreg s3  }
0xa8: {  	[dreg:$0x3] =	wrdreg s4  }
0xa9: {  	[dreg:$0x4] =	wrdreg $0xC0  }
0xaa: {  	_ =	task [dreg:s7], $0x5FFFF  }
0xab: {  	[dreg:$0x1] =	wrdreg $0xFFFFFFFF  }
0xac: {  	[dreg:$0x0] =	wrdreg $0x60  }
0xad: {  	[dreg:$0x2] =	wrdreg s0  }
0xae: {  	[dreg:$0x3] =	wrdreg s17  }
0xaf: {  	[dreg:$0x4] =	wrdreg s2  }
0xb0: {  	[dreg:$0x5] =	wrdreg $0x9  }
0xb1: {  	_ =	task.clear_ibuf [dreg:s7], $0x6FFFF;
	_ =	strace $0x90000046  }
0xb2: {  	s26 =	simm.s32 $0x9;
	_ =	strace $0x80000048  }
0xb3: {  	_ =	swait.ge [sflag:s26], $0x1  }
0xb4: {  	[sflag:s26] =	ssyncadd.s32 $0xFFFFFFFF  }
0xb5: {  	_ =	strace $0x90000048  }
0xb6: {  	_ =	sfence  }
0xb7: {  	s28 =	sld [smem:$0x0];
	_ =	sdelay $0x1  }
0xb8: {  	s29 =	srdreg.scid  }
0xb9: {  	s30 =	sshll.u32 s29, $0xD;
	s31 =	sshrl.u32 s29, $0x2  }
0xba: {  	s1 =	sand.u32 $0x1, s29;
	s2 =	sand.u32 $0x4000, s30;
	s0 =	sadd.s32 s31, s28  }
0xbb: {  	s1 =	sor.u32 s2, s1;
	s0 =	sshll.u32 s0, $0x11  }
0xbc: {  	s0 =	sor.u32 s0, s1  }
0xbd: {  	s0 =	sadd.s32 $0x8F2B, s0  }
0xbe: {  	[sflag:s0] =	ssyncadd.remote.s32 $0x1  }
0xbf: {  	_ =	sfence.sel $0xFFFF  }
0xc0: {  	[dreg:$0x0] =	wrdreg $0xFFFFFFFF;
	(pc) =	sbr.abs _section_cstart, $3  }
0xc1: {  	[dreg:$0x1] =	wrdreg $0xFFFFFFFF  }
0xc2: {  	_ =	task.clear_ibuf [dreg:s7], $0x2FFFF;
	_ =	strace $0x9FFFFFFF  }
0xc3: {  	(tm) =	ssettm $0x7FFFFFFF  }
tec
execute0_lowered:
.L_overlay_start_1:
0x0: {  	(tag) =	ssettag $0x1  }
0x1: {  	s4 =	rddreg [dreg:$0x0]  }
0x2: {  	s3 =	rddreg [dreg:$0x1]  }
0x3: {  	s1 =	rddreg [dreg:$0x2];
	s2 =	simm.s32 $0x0  }
0x4: {  	s5 =	stileid.u32;
	[smem:$0x7FF] =	sst s2  }
0x5: {  	s0 =	rddreg [dreg:$0x3];
	p0 =	sne.s32 s5, $0x0;
	_ =	strace $0x80000047  }
0x6: {  	_ =	sfence.sel @p0 $0x180000  }
0x7: {  	[bflag:$0x0] =	sbarrier.arrive @p0 $0xFFFF  }
0x8: {  	_ =	strace @p0 $0x90000047  }
0x9: {  	[bflag:$0x2] =	sbarrier.arrive @p0 $0xFFFF  }
0xa: {  	_ =	shalt @p0  }
.LBB2_1:
0xb: {  	[tilespmem:s2], [sflag:$0x1] =	stream.linear.gather [hbm4b:s4+s2], $0x100, $0x38;
	[tilespmem:$0x200] =	vst v63  }
0xc: {  	s29 =	simm.s32 $0x100;
	s30 =	simm.s32 $0x1  }
0xd: {  	[tilespmem:s29], [sflag:$0x1] =	stream.linear.gather [hbm4b:s3+s2], $0x100, $0x38;
	[tilespmem:$0x200] =	vst v63  }
0xe: {  	_ =	swait.ge [sflag:s30], $0x100  }
0xf: {  	[sflag:s30] =	ssyncset.done $0x0  }
0x10: {  	[sflag:s30] =	ssyncadd.s32 $0xFFFFFF00  }
0x11: {  	_ =	swait.ge [sflag:s30], $0x100  }
0x12: {  	[sflag:s30] =	ssyncset.done $0x0  }
0x13: {  	[sflag:s30] =	ssyncadd.s32 $0xFFFFFF00  }
0x14: {  	v0 =	vld [tilespmem:$0x0]  }
0x15: {  	v1 =	vld [tilespmem:$0x100]  }
0x16: {  	v2 =	vld [tilespmem:$0x10]  }
0x17: {  	v3 =	vld [tilespmem:$0x110]  }
0x18: {  	v4 =	vld [tilespmem:$0x20]  }
0x19: {  	v5 =	vld [tilespmem:$0x120]  }
0x1a: {  	v6 =	vld [tilespmem:$0x30]  }
0x1b: {  	v7 =	vld [tilespmem:$0x130]  }
0x1c: {  	v8 =	vld [tilespmem:$0x40]  }
0x1d: {  	v9 =	vld [tilespmem:$0x140]  }
0x1e: {  	v10 =	vld [tilespmem:$0x50]  }
0x1f: {  	v11 =	vld [tilespmem:$0x150]  }
0x20: {  	v12 =	vld [tilespmem:$0x60]  }
0x21: {  	v13 =	vld [tilespmem:$0x160]  }
0x22: {  	v14 =	vld [tilespmem:$0x70]  }
0x23: {  	v15 =	vld [tilespmem:$0x170]  }
0x24: {  	v16 =	vld [tilespmem:$0x80]  }
0x25: {  	v17 =	vld [tilespmem:$0x180]  }
0x26: {  	v18 =	vld [tilespmem:$0x90]  }
0x27: {  	v19 =	vld [tilespmem:$0x190]  }
0x28: {  	v20 =	vld [tilespmem:$0xA0]  }
0x29: {  	v40 =	vld [tilespmem:$0x1A0];
	v0 =	vadd.f32 v1, v0  }
0x2a: {  	v41 =	vld [tilespmem:$0xB0];
	v2 =	vadd.f32 v3, v2  }
0x2b: {  	v43 =	vld [tilespmem:$0x1B0];
	v42 =	vadd.f32 v5, v4;
	[tilespmem:$0x0] =	vst v0  }
0x2c: {  	v45 =	vld [tilespmem:$0xC0];
	v44 =	vadd.f32 v7, v6;
	[tilespmem:$0x10] =	vst v2  }
0x2d: {  	v47 =	vld [tilespmem:$0x1C0];
	v46 =	vadd.f32 v9, v8;
	[tilespmem:$0x20] =	vst v42  }
0x2e: {  	v49 =	vld [tilespmem:$0xD0];
	v48 =	vadd.f32 v11, v10;
	[tilespmem:$0x30] =	vst v44  }
0x2f: {  	v51 =	vld [tilespmem:$0x1D0];
	v50 =	vadd.f32 v13, v12;
	[tilespmem:$0x40] =	vst v46  }
0x30: {  	v53 =	vld [tilespmem:$0xE0];
	v52 =	vadd.f32 v15, v14;
	[tilespmem:$0x50] =	vst v48  }
0x31: {  	v55 =	vld [tilespmem:$0x1E0];
	v54 =	vadd.f32 v17, v16;
	[tilespmem:$0x60] =	vst v50  }
0x32: {  	v57 =	vld [tilespmem:$0xF0];
	v56 =	vadd.f32 v19, v18;
	[tilespmem:$0x70] =	vst v52  }
0x33: {  	v59 =	vld [tilespmem:$0x1F0];
	v58 =	vadd.f32 v40, v20;
	[tilespmem:$0x80] =	vst v54  }
0x34: {  	v60 =	vadd.f32 v43, v41;
	[tilespmem:$0x90] =	vst v56  }
0x35: {  	v61 =	vadd.f32 v47, v45;
	[tilespmem:$0xA0] =	vst v58  }
0x36: {  	v62 =	vadd.f32 v51, v49;
	[tilespmem:$0xB0] =	vst v60  }
0x37: {  	v63 =	vadd.f32 v55, v53;
	[tilespmem:$0xC0] =	vst v61  }
0x38: {  	v1 =	vadd.f32 v59, v57;
	[tilespmem:$0xD0] =	vst v62  }
0x39: {  	[tilespmem:$0xE0] =	vst v63  }
0x3a: {  	s31 =	simm.s32 $0x2;
	[tilespmem:$0xF0] =	vst v1  }
0x3b: {  	[hbm4b:s1+s2] =	stream.linear.scatter [tilespmem:s2], [sflag:$0x2], $0x100, $0x38;
	[tilespmem:$0x200] =	vst v63  }
0x3c: {  	_ =	swait.ge [sflag:s31], $0x100  }
0x3d: {  	[sflag:s31] =	ssyncset.done $0x0  }
0x3e: {  	[sflag:s31] =	ssyncadd.s32 $0xFFFFFF00  }
0x3f: {  	_ =	sfence.sel $0x180000  }
0x40: {  	[bflag:$0x0] =	sbarrier.arrive $0xFFFF  }
0x41: {  	_ =	strace $0x90000047  }
0x42: {  	s0 =	sadd.s32 $0x100000, s0;
	[bflag:$0x2] =	sbarrier.arrive $0xFFFF  }
0x43: {  	[sflag:s0] =	ssyncadd.tile.s32 $0x1;
	_ =	shalt  }
.Lfunc_end2:
_tile_overlayer_lowered:
.L_overlay_start_2:
0x44: {  	(tag) =	ssettag $0x2  }
0x45: {  	s0 =	rddreg [dreg:$0x0];
	s2 =	stileid.u32  }
0x46: {  	s1 =	rddreg [dreg:$0x1];
	p0 =	sne.s32 s2, $0x0  }
0x47: {  	s3 =	rddreg [dreg:$0x2];
	[bflag:$0x3] =	sbarrier.arrive $0xFFFF;
	s2 =	simm.s32 @!p0 $0x1C02  }
0x48: {  	[timem:s3], [sflag:s2] =	dma.local @!p0 [hbm:s0], s1  }
0x49: {  	s0 =	simm.s32 @!p0 $0x2  }
0x4a: {  	_ =	swait.ge @!p0 [sflag:s0], s1  }
0x4b: {  	s1 =	ssub.s32 @!p0 $0x0, s1;
	[sflag:s0] =	ssyncset.done @!p0 $0x0  }
0x4c: {  	[sflag:s0] =	ssyncadd.s32 @!p0 s1  }
0x4d: {  	[bflag:$0x3] =	sbarrier.arrive $0xFFFF  }
0x4e: {  	_ =	shalt  }

</sc_bundles>
